<compile_context>
chip_gen: v7x
topology: tpu7x:2x2x1
jax: 0.10.2.dev20260603
libtpu: 0.0.44.dev20260713+nightly
codegen_flags: <defaults>
</compile_context>

<pallas_src>
import functools

import jax
import jax.numpy as jnp
from jax import lax
from jax.experimental import pallas as pl
from jax.experimental.pallas import tpu as pltpu
from jax.experimental.pallas import tpu_sc as plsc

_L = 16
_EMBED = 128
_CODE = 17


def _sc_body(coded_hbm, idx_hbm, word_hbm, node_hbm, out_hbm,
             ti_v, w_v, n_v, bits_v, res_v, sem):
    c = lax.axis_index("c")
    s = lax.axis_index("s")

    @pl.when(jnp.logical_and(c == 0, s == 0))
    def _():
        pltpu.sync_copy(idx_hbm, ti_v)
        cw = pltpu.async_copy(word_hbm.at[ti_v.at[pl.ds(0, 1)]], w_v, sem)
        cn = pltpu.async_copy(node_hbm.at[ti_v.at[pl.ds(8, 1)]], n_v, sem)
        t = ti_v[...][0]
        cb = pltpu.async_copy(coded_hbm.at[pl.ds(t, 1), :], bits_v, sem)
        cw.wait()
        cn.wait()
        cb.wait()

        acc = w_v[0, pl.ds(0, _L)] * n_v[0, pl.ds(0, _L)]
        for j in range(1, _EMBED // _L):
            acc = acc + w_v[0, pl.ds(j * _L, _L)] * n_v[0, pl.ds(j * _L, _L)]

        lanes = lax.iota(jnp.int32, _L)
        dnums = lax.GatherDimensionNumbers(
            offset_dims=(), collapsed_slice_dims=(0,), start_index_map=(0,))

        def lane_sum(v):
            for k in (8, 4, 2, 1):
                perm = jnp.bitwise_xor(lanes, k)
                v = v + lax.gather(
                    v, perm[:, None], dnums, (1,),
                    mode=lax.GatherScatterMode.PROMISE_IN_BOUNDS)
            return v

        d_v = lane_sum(acc)

        ad = jnp.abs(d_v)
        e = jnp.exp(-ad)
        t_ = e / (e + jnp.float32(2.0))
        t2 = t_ * t_
        ln1pe = jnp.float32(2.0) * t_ * (
            jnp.float32(1.0) + t2 * (
                jnp.float32(1.0 / 3.0) + t2 * (
                    jnp.float32(1.0 / 5.0) + t2 * (
                        jnp.float32(1.0 / 7.0) + t2 * jnp.float32(1.0 / 9.0)))))
        sp_pos = jnp.maximum(d_v, jnp.float32(0.0)) + ln1pe
        sp_neg = jnp.maximum(-d_v, jnp.float32(0.0)) + ln1pe

        sp_diff = sp_pos - sp_neg
        bit0 = bits_v[0, pl.ds(0, _L)].astype(jnp.float32)
        total_v = lane_sum(sp_neg + bit0 * sp_diff)
        b16 = bits_v[0, pl.ds(1, _L)][_L - 1]
        b16_v = jnp.full((_L,), b16, jnp.int32).astype(jnp.float32)
        term16 = sp_neg + b16_v * sp_diff

        res_v[...] = total_v + term16
        pltpu.sync_copy(res_v.at[pl.ds(0, 1)], out_hbm)


@jax.jit
def kernel(coded_walk, target, context, word_represent, node_represent):
    idx = (jnp.zeros((_L,), jnp.int32)
           .at[0].set(target.astype(jnp.int32))
           .at[8].set(context.astype(jnp.int32)))
    mesh = plsc.VectorSubcoreMesh(core_axis_name="c", subcore_axis_name="s",
                                  num_cores=1)
    run = functools.partial(
        pl.kernel,
        out_type=jax.ShapeDtypeStruct((1,), jnp.float32),
        mesh=mesh,
        scratch_types=[
            pltpu.VMEM((_L,), jnp.int32),
            pltpu.VMEM((1, _EMBED), jnp.float32),
            pltpu.VMEM((1, _EMBED), jnp.float32),
            pltpu.VMEM((1, _CODE), jnp.int32),
            pltpu.VMEM((_L,), jnp.float32),
            pltpu.SemaphoreType.DMA,
        ],
    )(_sc_body)
    return run(coded_walk, idx, word_represent, node_represent)

# --- scband reference (transcript-rebuilt; emitter-appended) ---
"""Pipeline reference for scband-deepwalk-27264452395337 (READ-ONLY COPY).

The authoritative reference and input builder live on the scoring server;
editing this copy changes nothing except your own understanding.
"""

import jax, jax.numpy as jnp
import numpy as np

NUM_NODES = 100000
EMBED_DIM = 128
CODE_LEN = 17


def setup_inputs(seed: int = 0) -> dict:
    key = jax.random.key(seed)
    k1, k2, k3, k4, k5 = jax.random.split(key, 5)
    # Huffman-style binary code for every node (bits 0/1), fixed max code length
    coded_walk = jax.random.randint(k1, (NUM_NODES, CODE_LEN), 0, 2)
    target = jax.random.randint(k2, (), 0, NUM_NODES)
    context = jax.random.randint(k3, (), 0, NUM_NODES)
    # Learned parameters (the two nn.Embedding tables)
    word_represent = jax.random.normal(k4, (NUM_NODES, EMBED_DIM), dtype=jnp.float32)
    node_represent = jax.random.normal(k5, (NUM_NODES, EMBED_DIM), dtype=jnp.float32)
    return {
        "coded_walk": coded_walk,
        "target": target,
        "context": context,
        "word_represent": word_represent,
        "node_represent": node_represent,
    }


def reference(coded_walk, target, context, word_represent, node_represent):
    # syn0 = word_represent(target); syn1 = node_represent(context)  (embedding gathers)
    syn0 = jnp.take(word_represent, target, axis=0)
    syn1 = jnp.take(node_represent, context, axis=0)
    # path_to_target = coded_walk[target]  (gather of the Huffman code bits)
    bits = jnp.take(coded_walk, target, axis=0)
    # In the original loop, syn0/syn1 do not change per step, so the dot is constant
    d = jnp.dot(syn0, syn1)
    # bit == 0 -> log(sigmoid(dot)); bit == 1 -> log(sigmoid(-dot))
    per_step = jnp.where(bits == 0, jnp.log(jax.nn.sigmoid(d)), jnp.log(jax.nn.sigmoid(-d)))
    loss = -jnp.sum(per_step)
    return loss.reshape(1)

if __name__ == "__main__":
    import jax
    _d = setup_inputs()
    print(jax.jit(kernel)(*tuple(_d.values())))

</pallas_src>

<mosaic_0001>
#map = affine_map<(d0, d1) -> (0, 0)>
#map1 = affine_map<(d0, d1) -> (0)>
module attributes {stable_mosaic.version = 14 : i64} {
  func.func @_sc_body(%arg0: i32, %arg1: i32, %arg2: memref<100000x17xi32, #tpu.memory_space<hbm>>, %arg3: memref<16xi32, #tpu.memory_space<hbm>>, %arg4: memref<100000x128xf32, #tpu.memory_space<hbm>>, %arg5: memref<100000x128xf32, #tpu.memory_space<hbm>>, %arg6: memref<1xf32, #tpu.memory_space<hbm>>, %arg7: memref<16xi32, #tpu.memory_space<vmem>>, %arg8: memref<1x128xf32, #tpu.memory_space<vmem>>, %arg9: memref<1x128xf32, #tpu.memory_space<vmem>>, %arg10: memref<1x17xi32, #tpu.memory_space<vmem>>, %arg11: memref<16xf32, #tpu.memory_space<vmem>>, %arg12: memref<!tpu.dma_semaphore, #tpu.memory_space<semaphore_mem>>) attributes {dimension_semantics = [#tpu.dimension_semantics<core_parallel>, #tpu.dimension_semantics<subcore_parallel>], iteration_bounds = array<i64: 1, 16>, scalar_prefetch = 0 : i64, scratch_operands = 6 : i64, tpu.core_type = #tpu.core_type<sc_vector_subcore>, window_params = [{transform_indices = #map}, {transform_indices = #map1}, {transform_indices = #map}, {transform_indices = #map}, {transform_indices = #map1}]} {
    %eq3A = arith.constant 0 : i32
    %eq3A_0 = arith.cmpi eq, %arg0, %eq3A : i32
    %eq3A_1 = arith.constant 0 : i32
    %eq3A_2 = arith.cmpi eq, %arg1, %eq3A_1 : i32
    %and3A = arith.andi %eq3A_0, %eq3A_2 : i1
    %convert_element_type3A = arith.extui %and3A : i1 to i32
    %cond3A = arith.constant 0 : i32
    %cond3A_3 = arith.cmpi ne, %convert_element_type3A, %cond3A : i32
    scf.if %cond3A_3 {
      "tpu.region"() ({
        %run_scoped3A = tpu.sem_alloc : memref<!tpu.dma_semaphore, #tpu.memory_space<semaphore_mem>>
        tpu.enqueue_dma source(%arg3 : memref<16xi32, #tpu.memory_space<hbm>>) target(%arg7 : memref<16xi32, #tpu.memory_space<vmem>>) target_semaphore(%run_scoped3A : memref<!tpu.dma_semaphore, #tpu.memory_space<semaphore_mem>>)
        tpu.wait_dma2 semaphore(%run_scoped3A : memref<!tpu.dma_semaphore, #tpu.memory_space<semaphore_mem>>) src(%arg3 : memref<16xi32, #tpu.memory_space<hbm>>) dst(%arg7 : memref<16xi32, #tpu.memory_space<vmem>>)
        tpu.yield
      }) : () -> ()
      %dma_start3A = arith.constant 0 : i32
      %dma_start3A_4 = tpu.memref_slice %arg7[%dma_start3A] : memref<16xi32, #tpu.memory_space<vmem>> -> memref<1xi32, #tpu.memory_space<vmem>>
      %dma_start3A_5 = arith.constant 0 : i32
      %dma_start3A_6 = arith.constant 0 : i32
      %dma_start3A_7 = tpu.memref_slice %arg4[%dma_start3A_5, %dma_start3A_6] : memref<100000x128xf32, #tpu.memory_space<hbm>> -> memref<100000x128xf32, #tpu.memory_space<hbm>>
      tpu.enqueue_indirect_dma source(%dma_start3A_7 : memref<100000x128xf32, #tpu.memory_space<hbm>>) target(%arg8 : memref<1x128xf32, #tpu.memory_space<vmem>>) offsets(%dma_start3A_4 : memref<1xi32, #tpu.memory_space<vmem>>) semaphore(%arg12 : memref<!tpu.dma_semaphore, #tpu.memory_space<semaphore_mem>>)
      %dma_start3A_8 = arith.constant 8 : i32
      %dma_start3A_9 = tpu.memref_slice %arg7[%dma_start3A_8] : memref<16xi32, #tpu.memory_space<vmem>> -> memref<1xi32, #tpu.memory_space<vmem>>
      %dma_start3A_10 = arith.constant 0 : i32
      %dma_start3A_11 = arith.constant 0 : i32
      %dma_start3A_12 = tpu.memref_slice %arg5[%dma_start3A_10, %dma_start3A_11] : memref<100000x128xf32, #tpu.memory_space<hbm>> -> memref<100000x128xf32, #tpu.memory_space<hbm>>
      tpu.enqueue_indirect_dma source(%dma_start3A_12 : memref<100000x128xf32, #tpu.memory_space<hbm>>) target(%arg9 : memref<1x128xf32, #tpu.memory_space<vmem>>) offsets(%dma_start3A_9 : memref<1xi32, #tpu.memory_space<vmem>>) semaphore(%arg12 : memref<!tpu.dma_semaphore, #tpu.memory_space<semaphore_mem>>)
      %get3A = arith.constant 0 : index
      %get3A_13 = tpu.vector_load %arg7[%get3A] {strides = array<i32>} : memref<16xi32, #tpu.memory_space<vmem>>, vector<16xi32>,
      %get3A_14 = vector.shape_cast %get3A_13 : vector<16xi32> to vector<16xi32>
      %slice3A = vector.extract_strided_slice %get3A_14 {offsets = [0], sizes = [1], strides = [1]} : vector<16xi32> to vector<1xi32>
      %squeeze3A = vector.extract %slice3A[0] : i32 from vector<1xi32>
      %dma_start3A_15 = arith.constant 0 : i32
      %dma_start3A_16 = tpu.memref_slice %arg2[%squeeze3A, %dma_start3A_15] : memref<100000x17xi32, #tpu.memory_space<hbm>> -> memref<1x17xi32, #tpu.memory_space<hbm>>
      %dma_start3A_17 = arith.constant 0 : i32
      %dma_start3A_18 = tpu.memref_slice %arg2[%squeeze3A, %dma_start3A_17] : memref<100000x17xi32, #tpu.memory_space<hbm>> -> memref<1x17xi32, #tpu.memory_space<hbm>>
      tpu.enqueue_dma source(%dma_start3A_18 : memref<1x17xi32, #tpu.memory_space<hbm>>) target(%arg10 : memref<1x17xi32, #tpu.memory_space<vmem>>) target_semaphore(%arg12 : memref<!tpu.dma_semaphore, #tpu.memory_space<semaphore_mem>>)
      %dma_wait3A = arith.constant 0 : i32
      %dma_wait3A_19 = tpu.memref_slice %arg7[%dma_wait3A] : memref<16xi32, #tpu.memory_space<vmem>> -> memref<1xi32, #tpu.memory_space<vmem>>
      %dma_wait3A_20 = arith.constant 0 : i32
      %dma_wait3A_21 = arith.constant 0 : i32
      %dma_wait3A_22 = tpu.memref_slice %arg4[%dma_wait3A_20, %dma_wait3A_21] : memref<100000x128xf32, #tpu.memory_space<hbm>> -> memref<100000x128xf32, #tpu.memory_space<hbm>>
      tpu.wait_indirect_dma semaphore(%arg12 : memref<!tpu.dma_semaphore, #tpu.memory_space<semaphore_mem>>) src(%dma_wait3A_22 : memref<100000x128xf32, #tpu.memory_space<hbm>>) dst(%arg8 : memref<1x128xf32, #tpu.memory_space<vmem>>)
      %dma_wait3A_23 = arith.constant 8 : i32
      %dma_wait3A_24 = tpu.memref_slice %arg7[%dma_wait3A_23] : memref<16xi32, #tpu.memory_space<vmem>> -> memref<1xi32, #tpu.memory_space<vmem>>
      %dma_wait3A_25 = arith.constant 0 : i32
      %dma_wait3A_26 = arith.constant 0 : i32
      %dma_wait3A_27 = tpu.memref_slice %arg5[%dma_wait3A_25, %dma_wait3A_26] : memref<100000x128xf32, #tpu.memory_space<hbm>> -> memref<100000x128xf32, #tpu.memory_space<hbm>>
      tpu.wait_indirect_dma semaphore(%arg12 : memref<!tpu.dma_semaphore, #tpu.memory_space<semaphore_mem>>) src(%dma_wait3A_27 : memref<100000x128xf32, #tpu.memory_space<hbm>>) dst(%arg9 : memref<1x128xf32, #tpu.memory_space<vmem>>)
      %dma_wait3A_28 = arith.constant 0 : i32
      %dma_wait3A_29 = tpu.memref_slice %arg2[%squeeze3A, %dma_wait3A_28] : memref<100000x17xi32, #tpu.memory_space<hbm>> -> memref<1x17xi32, #tpu.memory_space<hbm>>
      %dma_wait3A_30 = arith.constant 0 : i32
      %dma_wait3A_31 = tpu.memref_slice %arg2[%squeeze3A, %dma_wait3A_30] : memref<100000x17xi32, #tpu.memory_space<hbm>> -> memref<1x17xi32, #tpu.memory_space<hbm>>
      tpu.wait_dma2 semaphore(%arg12 : memref<!tpu.dma_semaphore, #tpu.memory_space<semaphore_mem>>) src(%dma_wait3A_31 : memref<1x17xi32, #tpu.memory_space<hbm>>) dst(%arg10 : memref<1x17xi32, #tpu.memory_space<vmem>>)
      %get3A_32 = arith.constant 0 : i32
      %get3A_33 = arith.index_cast %get3A_32 : i32 to index
      %get3A_34 = arith.constant 0 : index
      %get3A_35 = tpu.vector_load %arg8[%get3A_33, %get3A_34] {strides = array<i32>} : memref<1x128xf32, #tpu.memory_space<vmem>>, vector<1x16xf32>,
      %get3A_36 = vector.shape_cast %get3A_35 : vector<1x16xf32> to vector<16xf32>
      %get3A_37 = arith.constant 0 : i32
      %get3A_38 = arith.index_cast %get3A_37 : i32 to index
      %get3A_39 = arith.constant 0 : index
      %get3A_40 = tpu.vector_load %arg9[%get3A_38, %get3A_39] {strides = array<i32>} : memref<1x128xf32, #tpu.memory_space<vmem>>, vector<1x16xf32>,
      %get3A_41 = vector.shape_cast %get3A_40 : vector<1x16xf32> to vector<16xf32>
      %mul3A = arith.mulf %get3A_36, %get3A_41 : vector<16xf32>
      %get3A_42 = arith.constant 0 : i32
      %get3A_43 = arith.index_cast %get3A_42 : i32 to index
      %get3A_44 = arith.constant 16 : index
      %get3A_45 = tpu.vector_load %arg8[%get3A_43, %get3A_44] {strides = array<i32>} : memref<1x128xf32, #tpu.memory_space<vmem>>, vector<1x16xf32>,
      %get3A_46 = vector.shape_cast %get3A_45 : vector<1x16xf32> to vector<16xf32>
      %get3A_47 = arith.constant 0 : i32
      %get3A_48 = arith.index_cast %get3A_47 : i32 to index
      %get3A_49 = arith.constant 16 : index
      %get3A_50 = tpu.vector_load %arg9[%get3A_48, %get3A_49] {strides = array<i32>} : memref<1x128xf32, #tpu.memory_space<vmem>>, vector<1x16xf32>,
      %get3A_51 = vector.shape_cast %get3A_50 : vector<1x16xf32> to vector<16xf32>
      %mul3A_52 = arith.mulf %get3A_46, %get3A_51 : vector<16xf32>
      %add3A = arith.addf %mul3A, %mul3A_52 : vector<16xf32>
      %get3A_53 = arith.constant 0 : i32
      %get3A_54 = arith.index_cast %get3A_53 : i32 to index
      %get3A_55 = arith.constant 32 : index
      %get3A_56 = tpu.vector_load %arg8[%get3A_54, %get3A_55] {strides = array<i32>} : memref<1x128xf32, #tpu.memory_space<vmem>>, vector<1x16xf32>,
      %get3A_57 = vector.shape_cast %get3A_56 : vector<1x16xf32> to vector<16xf32>
      %get3A_58 = arith.constant 0 : i32
      %get3A_59 = arith.index_cast %get3A_58 : i32 to index
      %get3A_60 = arith.constant 32 : index
      %get3A_61 = tpu.vector_load %arg9[%get3A_59, %get3A_60] {strides = array<i32>} : memref<1x128xf32, #tpu.memory_space<vmem>>, vector<1x16xf32>,
      %get3A_62 = vector.shape_cast %get3A_61 : vector<1x16xf32> to vector<16xf32>
      %mul3A_63 = arith.mulf %get3A_57, %get3A_62 : vector<16xf32>
      %add3A_64 = arith.addf %add3A, %mul3A_63 : vector<16xf32>
      %get3A_65 = arith.constant 0 : i32
      %get3A_66 = arith.index_cast %get3A_65 : i32 to index
      %get3A_67 = arith.constant 48 : index
      %get3A_68 = tpu.vector_load %arg8[%get3A_66, %get3A_67] {strides = array<i32>} : memref<1x128xf32, #tpu.memory_space<vmem>>, vector<1x16xf32>,
      %get3A_69 = vector.shape_cast %get3A_68 : vector<1x16xf32> to vector<16xf32>
      %get3A_70 = arith.constant 0 : i32
      %get3A_71 = arith.index_cast %get3A_70 : i32 to index
      %get3A_72 = arith.constant 48 : index
      %get3A_73 = tpu.vector_load %arg9[%get3A_71, %get3A_72] {strides = array<i32>} : memref<1x128xf32, #tpu.memory_space<vmem>>, vector<1x16xf32>,
      %get3A_74 = vector.shape_cast %get3A_73 : vector<1x16xf32> to vector<16xf32>
      %mul3A_75 = arith.mulf %get3A_69, %get3A_74 : vector<16xf32>
      %add3A_76 = arith.addf %add3A_64, %mul3A_75 : vector<16xf32>
      %get3A_77 = arith.constant 0 : i32
      %get3A_78 = arith.index_cast %get3A_77 : i32 to index
      %get3A_79 = arith.constant 64 : index
      %get3A_80 = tpu.vector_load %arg8[%get3A_78, %get3A_79] {strides = array<i32>} : memref<1x128xf32, #tpu.memory_space<vmem>>, vector<1x16xf32>,
      %get3A_81 = vector.shape_cast %get3A_80 : vector<1x16xf32> to vector<16xf32>
      %get3A_82 = arith.constant 0 : i32
      %get3A_83 = arith.index_cast %get3A_82 : i32 to index
      %get3A_84 = arith.constant 64 : index
      %get3A_85 = tpu.vector_load %arg9[%get3A_83, %get3A_84] {strides = array<i32>} : memref<1x128xf32, #tpu.memory_space<vmem>>, vector<1x16xf32>,
      %get3A_86 = vector.shape_cast %get3A_85 : vector<1x16xf32> to vector<16xf32>
      %mul3A_87 = arith.mulf %get3A_81, %get3A_86 : vector<16xf32>
      %add3A_88 = arith.addf %add3A_76, %mul3A_87 : vector<16xf32>
      %get3A_89 = arith.constant 0 : i32
      %get3A_90 = arith.index_cast %get3A_89 : i32 to index
      %get3A_91 = arith.constant 80 : index
      %get3A_92 = tpu.vector_load %arg8[%get3A_90, %get3A_91] {strides = array<i32>} : memref<1x128xf32, #tpu.memory_space<vmem>>, vector<1x16xf32>,
      %get3A_93 = vector.shape_cast %get3A_92 : vector<1x16xf32> to vector<16xf32>
      %get3A_94 = arith.constant 0 : i32
      %get3A_95 = arith.index_cast %get3A_94 : i32 to index
      %get3A_96 = arith.constant 80 : index
      %get3A_97 = tpu.vector_load %arg9[%get3A_95, %get3A_96] {strides = array<i32>} : memref<1x128xf32, #tpu.memory_space<vmem>>, vector<1x16xf32>,
      %get3A_98 = vector.shape_cast %get3A_97 : vector<1x16xf32> to vector<16xf32>
      %mul3A_99 = arith.mulf %get3A_93, %get3A_98 : vector<16xf32>
      %add3A_100 = arith.addf %add3A_88, %mul3A_99 : vector<16xf32>
      %get3A_101 = arith.constant 0 : i32
      %get3A_102 = arith.index_cast %get3A_101 : i32 to index
      %get3A_103 = arith.constant 96 : index
      %get3A_104 = tpu.vector_load %arg8[%get3A_102, %get3A_103] {strides = array<i32>} : memref<1x128xf32, #tpu.memory_space<vmem>>, vector<1x16xf32>,
      %get3A_105 = vector.shape_cast %get3A_104 : vector<1x16xf32> to vector<16xf32>
      %get3A_106 = arith.constant 0 : i32
      %get3A_107 = arith.index_cast %get3A_106 : i32 to index
      %get3A_108 = arith.constant 96 : index
      %get3A_109 = tpu.vector_load %arg9[%get3A_107, %get3A_108] {strides = array<i32>} : memref<1x128xf32, #tpu.memory_space<vmem>>, vector<1x16xf32>,
      %get3A_110 = vector.shape_cast %get3A_109 : vector<1x16xf32> to vector<16xf32>
      %mul3A_111 = arith.mulf %get3A_105, %get3A_110 : vector<16xf32>
      %add3A_112 = arith.addf %add3A_100, %mul3A_111 : vector<16xf32>
      %get3A_113 = arith.constant 0 : i32
      %get3A_114 = arith.index_cast %get3A_113 : i32 to index
      %get3A_115 = arith.constant 112 : index
      %get3A_116 = tpu.vector_load %arg8[%get3A_114, %get3A_115] {strides = array<i32>} : memref<1x128xf32, #tpu.memory_space<vmem>>, vector<1x16xf32>,
      %get3A_117 = vector.shape_cast %get3A_116 : vector<1x16xf32> to vector<16xf32>
      %get3A_118 = arith.constant 0 : i32
      %get3A_119 = arith.index_cast %get3A_118 : i32 to index
      %get3A_120 = arith.constant 112 : index
      %get3A_121 = tpu.vector_load %arg9[%get3A_119, %get3A_120] {strides = array<i32>} : memref<1x128xf32, #tpu.memory_space<vmem>>, vector<1x16xf32>,
      %get3A_122 = vector.shape_cast %get3A_121 : vector<1x16xf32> to vector<16xf32>
      %mul3A_123 = arith.mulf %get3A_117, %get3A_122 : vector<16xf32>
      %add3A_124 = arith.addf %add3A_112, %mul3A_123 : vector<16xf32>
      %iota3A = tpu.iota {dimensions = array<i32: 0>} : vector<16xi32>
      %xor3A = arith.constant 8 : i32
      %xor3A_125 = vector.broadcast %xor3A : i32 to vector<16xi32>
      %xor3A_126 = arith.xori %iota3A, %xor3A_125 : vector<16xi32>
      %broadcast_in_dim3A = vector.shape_cast %xor3A_126 : vector<16xi32> to vector<16x1xi32>
      %gather3A = vector.shape_cast %broadcast_in_dim3A : vector<16x1xi32> to vector<16xi32>
      %gather3A_127 = tpu.dynamic_gather %add3A_124[%gather3A] in [0] : vector<16xf32>, vector<16xi32> -> vector<16xf32>
      %add3A_128 = arith.addf %add3A_124, %gather3A_127 : vector<16xf32>
      %xor3A_129 = arith.constant 4 : i32
      %xor3A_130 = vector.broadcast %xor3A_129 : i32 to vector<16xi32>
      %xor3A_131 = arith.xori %iota3A, %xor3A_130 : vector<16xi32>
      %broadcast_in_dim3A_132 = vector.shape_cast %xor3A_131 : vector<16xi32> to vector<16x1xi32>
      %gather3A_133 = vector.shape_cast %broadcast_in_dim3A_132 : vector<16x1xi32> to vector<16xi32>
      %gather3A_134 = tpu.dynamic_gather %add3A_128[%gather3A_133] in [0] : vector<16xf32>, vector<16xi32> -> vector<16xf32>
      %add3A_135 = arith.addf %add3A_128, %gather3A_134 : vector<16xf32>
      %xor3A_136 = arith.constant 2 : i32
      %xor3A_137 = vector.broadcast %xor3A_136 : i32 to vector<16xi32>
      %xor3A_138 = arith.xori %iota3A, %xor3A_137 : vector<16xi32>
      %broadcast_in_dim3A_139 = vector.shape_cast %xor3A_138 : vector<16xi32> to vector<16x1xi32>
      %gather3A_140 = vector.shape_cast %broadcast_in_dim3A_139 : vector<16x1xi32> to vector<16xi32>
      %gather3A_141 = tpu.dynamic_gather %add3A_135[%gather3A_140] in [0] : vector<16xf32>, vector<16xi32> -> vector<16xf32>
      %add3A_142 = arith.addf %add3A_135, %gather3A_141 : vector<16xf32>
      %xor3A_143 = arith.constant 1 : i32
      %xor3A_144 = vector.broadcast %xor3A_143 : i32 to vector<16xi32>
      %xor3A_145 = arith.xori %iota3A, %xor3A_144 : vector<16xi32>
      %broadcast_in_dim3A_146 = vector.shape_cast %xor3A_145 : vector<16xi32> to vector<16x1xi32>
      %gather3A_147 = vector.shape_cast %broadcast_in_dim3A_146 : vector<16x1xi32> to vector<16xi32>
      %gather3A_148 = tpu.dynamic_gather %add3A_142[%gather3A_147] in [0] : vector<16xf32>, vector<16xi32> -> vector<16xf32>
      %add3A_149 = arith.addf %add3A_142, %gather3A_148 : vector<16xf32>
      %abs3A = math.absf %add3A_149 : vector<16xf32>
      %neg3A = arith.constant 0.000000e+00 : f32
      %neg3A_150 = vector.broadcast %neg3A : f32 to vector<16xf32>
      %neg3A_151 = arith.subf %neg3A_150, %abs3A : vector<16xf32>
      %exp3A = math.exp %neg3A_151 : vector<16xf32>
      %add3A_152 = arith.constant 2.000000e+00 : f32
      %add3A_153 = vector.broadcast %add3A_152 : f32 to vector<16xf32>
      %add3A_154 = arith.addf %exp3A, %add3A_153 : vector<16xf32>
      %div3A = arith.divf %exp3A, %add3A_154 : vector<16xf32>
      %mul3A_155 = arith.mulf %div3A, %div3A : vector<16xf32>
      %mul3A_156 = arith.constant 2.000000e+00 : f32
      %mul3A_157 = vector.broadcast %mul3A_156 : f32 to vector<16xf32>
      %mul3A_158 = arith.mulf %mul3A_157, %div3A : vector<16xf32>
      %mul3A_159 = arith.constant 0.111111112 : f32
      %mul3A_160 = vector.broadcast %mul3A_159 : f32 to vector<16xf32>
      %mul3A_161 = arith.mulf %mul3A_155, %mul3A_160 : vector<16xf32>
      %add3A_162 = arith.constant 0.142857149 : f32
      %add3A_163 = vector.broadcast %add3A_162 : f32 to vector<16xf32>
      %add3A_164 = arith.addf %add3A_163, %mul3A_161 : vector<16xf32>
      %mul3A_165 = arith.mulf %mul3A_155, %add3A_164 : vector<16xf32>
      %add3A_166 = arith.constant 2.000000e-01 : f32
      %add3A_167 = vector.broadcast %add3A_166 : f32 to vector<16xf32>
      %add3A_168 = arith.addf %add3A_167, %mul3A_165 : vector<16xf32>
      %mul3A_169 = arith.mulf %mul3A_155, %add3A_168 : vector<16xf32>
      %add3A_170 = arith.constant 0.333333343 : f32
      %add3A_171 = vector.broadcast %add3A_170 : f32 to vector<16xf32>
      %add3A_172 = arith.addf %add3A_171, %mul3A_169 : vector<16xf32>
      %mul3A_173 = arith.mulf %mul3A_155, %add3A_172 : vector<16xf32>
      %add3A_174 = arith.constant 1.000000e+00 : f32
      %add3A_175 = vector.broadcast %add3A_174 : f32 to vector<16xf32>
      %add3A_176 = arith.addf %add3A_175, %mul3A_173 : vector<16xf32>
      %mul3A_177 = arith.mulf %mul3A_158, %add3A_176 : vector<16xf32>
      %max3A = arith.constant 0.000000e+00 : f32
      %max3A_178 = vector.broadcast %max3A : f32 to vector<16xf32>
      %max3A_179 = arith.maximumf %add3A_149, %max3A_178 : vector<16xf32>
      %add3A_180 = arith.addf %max3A_179, %mul3A_177 : vector<16xf32>
      %neg3A_181 = arith.constant 0.000000e+00 : f32
      %neg3A_182 = vector.broadcast %neg3A_181 : f32 to vector<16xf32>
      %neg3A_183 = arith.subf %neg3A_182, %add3A_149 : vector<16xf32>
      %max3A_184 = arith.constant 0.000000e+00 : f32
      %max3A_185 = vector.broadcast %max3A_184 : f32 to vector<16xf32>
      %max3A_186 = arith.maximumf %neg3A_183, %max3A_185 : vector<16xf32>
      %add3A_187 = arith.addf %max3A_186, %mul3A_177 : vector<16xf32>
      %sub3A = arith.subf %add3A_180, %add3A_187 : vector<16xf32>
      %get3A_188 = arith.constant 0 : i32
      %get3A_189 = arith.index_cast %get3A_188 : i32 to index
      %get3A_190 = arith.constant 0 : index
      %get3A_191 = tpu.vector_load %arg10[%get3A_189, %get3A_190] {strides = array<i32>} : memref<1x17xi32, #tpu.memory_space<vmem>>, vector<1x16xi32>,
      %get3A_192 = vector.shape_cast %get3A_191 : vector<1x16xi32> to vector<16xi32>
      %convert_element_type3A_193 = arith.sitofp %get3A_192 : vector<16xi32> to vector<16xf32>
      %mul3A_194 = arith.mulf %convert_element_type3A_193, %sub3A : vector<16xf32>
      %add3A_195 = arith.addf %add3A_187, %mul3A_194 : vector<16xf32>
      %xor3A_196 = arith.constant 8 : i32
      %xor3A_197 = vector.broadcast %xor3A_196 : i32 to vector<16xi32>
      %xor3A_198 = arith.xori %iota3A, %xor3A_197 : vector<16xi32>
      %broadcast_in_dim3A_199 = vector.shape_cast %xor3A_198 : vector<16xi32> to vector<16x1xi32>
      %gather3A_200 = vector.shape_cast %broadcast_in_dim3A_199 : vector<16x1xi32> to vector<16xi32>
      %gather3A_201 = tpu.dynamic_gather %add3A_195[%gather3A_200] in [0] : vector<16xf32>, vector<16xi32> -> vector<16xf32>
      %add3A_202 = arith.addf %add3A_195, %gather3A_201 : vector<16xf32>
      %xor3A_203 = arith.constant 4 : i32
      %xor3A_204 = vector.broadcast %xor3A_203 : i32 to vector<16xi32>
      %xor3A_205 = arith.xori %iota3A, %xor3A_204 : vector<16xi32>
      %broadcast_in_dim3A_206 = vector.shape_cast %xor3A_205 : vector<16xi32> to vector<16x1xi32>
      %gather3A_207 = vector.shape_cast %broadcast_in_dim3A_206 : vector<16x1xi32> to vector<16xi32>
      %gather3A_208 = tpu.dynamic_gather %add3A_202[%gather3A_207] in [0] : vector<16xf32>, vector<16xi32> -> vector<16xf32>
      %add3A_209 = arith.addf %add3A_202, %gather3A_208 : vector<16xf32>
      %xor3A_210 = arith.constant 2 : i32
      %xor3A_211 = vector.broadcast %xor3A_210 : i32 to vector<16xi32>
      %xor3A_212 = arith.xori %iota3A, %xor3A_211 : vector<16xi32>
      %broadcast_in_dim3A_213 = vector.shape_cast %xor3A_212 : vector<16xi32> to vector<16x1xi32>
      %gather3A_214 = vector.shape_cast %broadcast_in_dim3A_213 : vector<16x1xi32> to vector<16xi32>
      %gather3A_215 = tpu.dynamic_gather %add3A_209[%gather3A_214] in [0] : vector<16xf32>, vector<16xi32> -> vector<16xf32>
      %add3A_216 = arith.addf %add3A_209, %gather3A_215 : vector<16xf32>
      %xor3A_217 = arith.constant 1 : i32
      %xor3A_218 = vector.broadcast %xor3A_217 : i32 to vector<16xi32>
      %xor3A_219 = arith.xori %iota3A, %xor3A_218 : vector<16xi32>
      %broadcast_in_dim3A_220 = vector.shape_cast %xor3A_219 : vector<16xi32> to vector<16x1xi32>
      %gather3A_221 = vector.shape_cast %broadcast_in_dim3A_220 : vector<16x1xi32> to vector<16xi32>
      %gather3A_222 = tpu.dynamic_gather %add3A_216[%gather3A_221] in [0] : vector<16xf32>, vector<16xi32> -> vector<16xf32>
      %add3A_223 = arith.addf %add3A_216, %gather3A_222 : vector<16xf32>
      %get3A_224 = arith.constant 0 : i32
      %get3A_225 = arith.index_cast %get3A_224 : i32 to index
      %get3A_226 = arith.constant 1 : index
      %get3A_227 = tpu.vector_load %arg10[%get3A_225, %get3A_226] {strides = array<i32>} : memref<1x17xi32, #tpu.memory_space<vmem>>, vector<1x16xi32>,
      %get3A_228 = vector.shape_cast %get3A_227 : vector<1x16xi32> to vector<16xi32>
      %slice3A_229 = vector.extract_strided_slice %get3A_228 {offsets = [15], sizes = [1], strides = [1]} : vector<16xi32> to vector<1xi32>
      %squeeze3A_230 = vector.extract %slice3A_229[0] : i32 from vector<1xi32>
      %broadcast_in_dim3A_231 = vector.broadcast %squeeze3A_230 : i32 to vector<16xi32>
      %convert_element_type3A_232 = arith.sitofp %broadcast_in_dim3A_231 : vector<16xi32> to vector<16xf32>
      %mul3A_233 = arith.mulf %convert_element_type3A_232, %sub3A : vector<16xf32>
      %add3A_234 = arith.addf %add3A_187, %mul3A_233 : vector<16xf32>
      %add3A_235 = arith.addf %add3A_223, %add3A_234 : vector<16xf32>
      %swap3A = arith.constant 0 : index
      %swap3A_236 = tpu.vector_load %arg11[%swap3A] {strides = array<i32>} : memref<16xf32, #tpu.memory_space<vmem>>, vector<16xf32>,
      %swap3A_237 = vector.shape_cast %swap3A_236 : vector<16xf32> to vector<16xf32>
      %swap3A_238 = vector.shape_cast %add3A_235 : vector<16xf32> to vector<16xf32>
      tpu.vector_store %arg11[%swap3A], %swap3A_238 {strides = array<i32>} : memref<16xf32, #tpu.memory_space<vmem>>, vector<16xf32>,
      "tpu.region"() ({
        %run_scoped3A = tpu.sem_alloc : memref<!tpu.dma_semaphore, #tpu.memory_space<semaphore_mem>>
        %dma_start3A_239 = arith.constant 0 : i32
        %dma_start3A_240 = tpu.memref_slice %arg11[%dma_start3A_239] : memref<16xf32, #tpu.memory_space<vmem>> -> memref<1xf32, #tpu.memory_space<vmem>>
        %dma_start3A_241 = arith.constant 0 : i32
        %dma_start3A_242 = tpu.memref_slice %arg11[%dma_start3A_241] : memref<16xf32, #tpu.memory_space<vmem>> -> memref<1xf32, #tpu.memory_space<vmem>>
        tpu.enqueue_dma source(%dma_start3A_242 : memref<1xf32, #tpu.memory_space<vmem>>) target(%arg6 : memref<1xf32, #tpu.memory_space<hbm>>) target_semaphore(%run_scoped3A : memref<!tpu.dma_semaphore, #tpu.memory_space<semaphore_mem>>)
        %dma_wait3A_243 = arith.constant 0 : i32
        %dma_wait3A_244 = tpu.memref_slice %arg11[%dma_wait3A_243] : memref<16xf32, #tpu.memory_space<vmem>> -> memref<1xf32, #tpu.memory_space<vmem>>
        %dma_wait3A_245 = arith.constant 0 : i32
        %dma_wait3A_246 = tpu.memref_slice %arg11[%dma_wait3A_245] : memref<16xf32, #tpu.memory_space<vmem>> -> memref<1xf32, #tpu.memory_space<vmem>>
        tpu.wait_dma2 semaphore(%run_scoped3A : memref<!tpu.dma_semaphore, #tpu.memory_space<semaphore_mem>>) src(%dma_wait3A_246 : memref<1xf32, #tpu.memory_space<vmem>>) dst(%arg6 : memref<1xf32, #tpu.memory_space<hbm>>)
        tpu.yield
      }) : () -> ()
    } else {
    }
    return
  }
}

</mosaic_0001>

<sc_bundles>
// kernel: kernel.3.cloned.1.call-start
scs
__scs_entry_jumppad:
0x0: {  	(pc) =	sbr.rel $0x88, $3  }
0x1: {  	(tag) =	ssettag $0x0;
	lr =	simm.s32 $0x1  }
0x2: {  	[smem:$0x3F9C] =	sst lr;
	_ =	strace $0xD0000000  }
0x3: {  	_ = 	snop  }
0x4: {  	_ = 	snop  }
0x5: {  	_ = 	snop  }
0x6: {  	_ = 	snop  }
0x7: {  	_ = 	snop  }
__scs_overlays_trampoline_lowered:
0x8: {  	[smem:$0x3FAB] =	sst s0  }
0x9: {  	[smem:$0x3FAC] =	sst s1  }
0xa: {  	[smem:$0x3FAD] =	sst s2  }
0xb: {  	[smem:$0x3FAE] =	sst s3  }
0xc: {  	[smem:$0x3FAF] =	sst s4  }
0xd: {  	[smem:$0x3FB0] =	sst s5  }
0xe: {  	[smem:$0x3FB1] =	sst s6  }
0xf: {  	[smem:$0x3FB2] =	sst s7  }
0x10: {  	[smem:$0x3FB3] =	sst s8  }
0x11: {  	[smem:$0x3FB4] =	sst s9;
	s0 =	simm.s32 @!p0 $0x0  }
0x12: {  	s1 =	sld [smem:$0x3F9A];
	s0 =	simm.s32 @p0 $0x1  }
0x13: {  	[smem:$0x3FB5] =	sst s0;
	s0 =	simm.s32 @!p1 $0x0  }
0x14: {  	s2 =	sld [smem:$0x3F99];
	s0 =	simm.s32 @p1 $0x1  }
0x15: {  	[smem:$0x3FB6] =	sst s0;
	s0 =	simm.s32 @!p2 $0x0  }
0x16: {  	s3 =	sld [smem:$0x3FDB];
	s0 =	simm.s32 @p2 $0x1  }
0x17: {  	s4 =	simm.s32 $0x1BF5;
	[smem:$0x3FB8] =	sst s0  }
0x18: {  	s0 =	sld [smem:$0x3F9B];
	_ =	swait.ge [sflag:s4], $0x0  }
0x19: {  	s7 =	sld [smem:$0x3F9C]  }
0x1a: {  	s8 =	sadd.s32 $0xFFFFE003, lr  }
0x1b: {  	s9 =	sadd.s32 $0xFFFFFEF7, lr;
	s5 =	simm.s32 $0xFFFFFFFF;
	p2 =	slt.u32 s8, $0xFFFFF086  }
0x1c: {  	p1 =	slt.u32 s9, $0xF7A;
	s5 =	simm.s32 @!p2 $0x0  }
0x1d: {  	s5 =	simm.s32 @p1 $0x1;
	p0 =	seq.s32 s7, s2  }
0x1e: {  	s7 =	smul.u32 @!p0 $0xF7A, s2;
	p2 =	seq.s32 @!p0 s5, $0x0  }
0x1f: {  	s9 =	smul.u32 $0xF7A, s1;
	s8 =	simm.s32 @!p0 $0x1BF5;
	p2 =	por !p2, p0  }
0x20: {  	[sflag:s8] =	ssyncset.s32 @!p0 $0xFFFFF086;
	s6 =	sadd.s32 @!p0 s3, s7;
	s7 =	simm.s32 @!p0 $0x108  }
0x21: {  	s3 =	sadd.s32 s3, s9;
	s6 =	sadd.s32 @!p0 $0x88, s6;
	s7 =	simm.s32 @p2 $0x1082  }
0x22: {  	[simem:s7], [sflag:s8] =	dma.local @!p0 [hbm:s6], $0xF7A  }
0x23: {  	s9 =	sor.u32 $0xD0000000, s2;
	s6 =	simm.s32 $0x108;
	_ =	swait.ge @!p0 [sflag:s8], $0x0  }
0x24: {  	s3 =	sadd.s32 $0x88, s3;
	s6 =	simm.s32 @!p1 $0x1082;
	[sflag:s4] =	ssyncset.s32 $0xFFFFF086  }
0x25: {  	[simem:s6], [sflag:s4] =	dma.local [hbm:s3], $0xF7A  }
0x26: {  	[smem:$0x3F9C] =	sst s1;
	(tag) =	ssettag s2;
	_ =	strace s9  }
0x27: {  	s1 =	sld [smem:$0x3FAC]  }
0x28: {  	s2 =	sld [smem:$0x3FAD]  }
0x29: {  	s4 =	sld [smem:$0x3FAF]  }
0x2a: {  	p0 =	seq.s32 s5, $0x0;
	s5 =	sld [smem:$0x3FB0]  }
0x2b: {  	s6 =	sld [smem:$0x3FB1]  }
0x2c: {  	s7 =	sld [smem:$0x3FB2]  }
0x2d: {  	s3 =	simm.s32 $0x108;
	s8 =	sld [smem:$0x3FB3]  }
0x2e: {  	s3 =	simm.s32 @!p0 $0x1082;
	s9 =	sld [smem:$0x3FB4]  }
0x2f: {  	lr =	sadd.s32 s0, s3;
	s0 =	sld [smem:$0x3FAB]  }
0x30: {  	s3 =	sld [smem:$0x3FAE]  }
0x31: {  	[smem:$0x3FB7] =	sst s10  }
0x32: {  	s10 =	sld [smem:$0x3FB5];
	_ =	sdelay $0x3  }
0x33: {  	p0 =	seq.s32 s10, $0x1;
	s10 =	sld [smem:$0x3FB7];
	_ =	sdelay $0x3  }
0x34: {  	[smem:$0x3FB7] =	sst s10  }
0x35: {  	s10 =	sld [smem:$0x3FB6];
	_ =	sdelay $0x3  }
0x36: {  	p1 =	seq.s32 s10, $0x1;
	s10 =	sld [smem:$0x3FB7];
	_ =	sdelay $0x3  }
0x37: {  	[smem:$0x3FB7] =	sst s10  }
0x38: {  	s10 =	sld [smem:$0x3FB8]  }
0x39: {  	_ = 	snop;
	(pc) =	sbr.ind lr, $3  }
0x3a: {  	_ = 	snop  }
0x3b: {  	_ = 	snop  }
0x3c: {  	p2 =	seq.s32 s10, $0x1;
	s10 =	sld [smem:$0x3FB7]  }
0x3d: {  	_ =	shalt  }
0x3e: {  	_ =	shalt  }
0x3f: {  	_ =	shalt  }
0x40: {  	_ =	shalt  }
0x41: {  	_ =	shalt  }
0x42: {  	_ =	shalt  }
0x43: {  	_ =	shalt  }
0x44: {  	_ =	shalt  }
0x45: {  	_ =	shalt  }
0x46: {  	_ =	shalt  }
0x47: {  	_ =	shalt  }
0x48: {  	_ =	shalt  }
0x49: {  	_ =	shalt  }
0x4a: {  	_ =	shalt  }
0x4b: {  	_ =	shalt  }
0x4c: {  	_ =	shalt  }
0x4d: {  	_ =	shalt  }
0x4e: {  	_ =	shalt  }
0x4f: {  	_ =	shalt  }
0x50: {  	_ =	shalt  }
0x51: {  	_ =	shalt  }
0x52: {  	_ =	shalt  }
0x53: {  	_ =	shalt  }
0x54: {  	_ =	shalt  }
0x55: {  	_ =	shalt  }
0x56: {  	_ =	shalt  }
0x57: {  	_ =	shalt  }
0x58: {  	_ =	shalt  }
0x59: {  	_ =	shalt  }
0x5a: {  	_ =	shalt  }
0x5b: {  	_ =	shalt  }
0x5c: {  	_ =	shalt  }
0x5d: {  	_ =	shalt  }
0x5e: {  	_ =	shalt  }
0x5f: {  	_ =	shalt  }
0x60: {  	_ =	shalt  }
0x61: {  	_ =	shalt  }
0x62: {  	_ =	shalt  }
0x63: {  	_ =	shalt  }
0x64: {  	_ =	shalt  }
0x65: {  	_ =	shalt  }
0x66: {  	_ =	shalt  }
0x67: {  	_ =	shalt  }
0x68: {  	_ =	shalt  }
0x69: {  	_ =	shalt  }
0x6a: {  	_ =	shalt  }
0x6b: {  	_ =	shalt  }
0x6c: {  	_ =	shalt  }
0x6d: {  	_ =	shalt  }
0x6e: {  	_ =	shalt  }
0x6f: {  	_ =	shalt  }
0x70: {  	_ =	shalt  }
0x71: {  	_ =	shalt  }
0x72: {  	_ =	shalt  }
0x73: {  	_ =	shalt  }
0x74: {  	_ =	shalt  }
0x75: {  	_ =	shalt  }
0x76: {  	_ =	shalt  }
0x77: {  	_ =	shalt  }
0x78: {  	_ =	shalt  }
0x79: {  	_ =	shalt  }
0x7a: {  	_ =	shalt  }
0x7b: {  	_ =	shalt  }
0x7c: {  	_ =	shalt  }
0x7d: {  	_ =	shalt  }
0x7e: {  	_ =	shalt  }
0x7f: {  	_ =	shalt  }
0x80: {  	_ =	shalt  }
0x81: {  	_ =	shalt  }
0x82: {  	_ =	shalt  }
0x83: {  	_ =	shalt  }
0x84: {  	_ =	shalt  }
0x85: {  	_ =	shalt  }
0x86: {  	_ =	shalt  }
0x87: {  	_ =	shalt  }
.Lfunc_end0:
.L_simem_size_0:
called_computation_lowered:
.L_overlay_start_0:
0x88: {  	s0 =	sld [smem:$0x3FD9]  }
0x89: {  	s1 =	sld [smem:$0x3FFE];
	_ =	sdelay $0x3  }
0x8a: {  	s0 =	sadd.s32 s1, s0  }
0x8b: {  	[smem:$0x3FC3] =	sst s0  }
0x8c: {  	_ = 	snop  }
0x8d: {  	s0 =	sld [smem:$0x3FC6]  }
0x8e: {  	s16 =	sld [smem:$0x3FC5]  }
0x8f: {  	s2 =	sld [smem:$0x3FD0];
	(tm) =	ssettm $0x1  }
0x90: {  	s3 =	sld [smem:$0x3FFB];
	_ =	sdelay $0x3  }
0x91: {  	_ =	strace s3  }
0x92: {  	s3 =	sld [smem:$0x3FFC];
	_ =	sdelay $0x3  }
0x93: {  	_ =	strace s3  }
0x94: {  	s3 =	sld [smem:$0x3FFD];
	_ =	sdelay $0x3  }
0x95: {  	_ =	strace s3  }
0x96: {  	_ =	strace $0x8FFFFFFF  }
0x97: {  	s17 =	sld [smem:$0x3FDB];
	_ =	sdelay $0x1  }
0x98: {  	s4 =	simm.s32 $_scs_section_size  }
0x99: {  	s5 =	simm.s32 $_size__tile_overlayer_lowered;
	s6 =	simm.s32 $_tile_overlayer_lowered  }
0x9a: {  	s20 =	simm.s32 $0x1BFF;
	s19 =	sshll.u32 s6, $0x1;
	s3 =	sadd.s32 s4, s17  }
0x9b: {  	s7 =	simm.s32 $0x0;
	s18 =	sshll.u32 s5, $0x1;
	s5 =	sadd.s32 s19, s3  }
0x9c: {  	[timem:s7], [sflag:s20] =	dma.local [hbm:s5], s18  }
0x9d: {  	_ =	swait.ge [sflag:s20], s18  }
0x9e: {  	s4 =	ssub.s32 $0x0, s18;
	[sflag:s20] =	ssyncset.done $0x0  }
0x9f: {  	[sflag:s20] =	ssyncadd.s32 s4;
	_ =	sdelay $0x1  }
0xa0: {  	s21 =	simm.s32 $0x1B8B  }
0xa1: {  	_ =	swait.ge [sflag:s21], $0x1  }
0xa2: {  	[sflag:s21] =	ssyncset.done $0x0  }
0xa3: {  	s23 =	simm.s32 $0x1B8E;
	s22 =	sld [smem:$0x3FFE];
	[sflag:s21] =	ssyncadd.s32 $0xFFFFFFFF  }
0xa4: {  	s24 =	simm.s32 $execute0_lowered;
	[smem:$0x3FD2] =	sst s23  }
0xa5: {  	s5 =	sshll.u32 s24, $0x1;
	_ =	strace $0x80000046;
	[dreg:$0x1] =	wrdreg $0xFFFFFFFF  }
0xa6: {  	s25 =	simm.s32 $_size_execute0_lowered;
	s3 =	sadd.s32 s3, s5;
	[dreg:$0x0] =	wrdreg $0x0  }
0xa7: {  	s5 =	sshll.u32 s25, $0x1;
	[dreg:$0x2] =	wrdreg s3  }
0xa8: {  	[dreg:$0x3] =	wrdreg s5  }
0xa9: {  	[dreg:$0x4] =	wrdreg $0xC0  }
0xaa: {  	_ =	task [dreg:s7], $0x5FFFF  }
0xab: {  	[dreg:$0x1] =	wrdreg $0xFFFFFFFF  }
0xac: {  	[dreg:$0x0] =	wrdreg $0x60  }
0xad: {  	[dreg:$0x2] =	wrdreg s22  }
0xae: {  	[dreg:$0x3] =	wrdreg s0  }
0xaf: {  	[dreg:$0x4] =	wrdreg s16  }
0xb0: {  	[dreg:$0x5] =	wrdreg s2  }
0xb1: {  	[dreg:$0x6] =	wrdreg $0x9  }
0xb2: {  	_ =	task.clear_ibuf [dreg:s7], $0x7FFFF;
	_ =	strace $0x90000046  }
0xb3: {  	s26 =	simm.s32 $0x9;
	_ =	strace $0x80000048  }
0xb4: {  	_ =	swait.ge [sflag:s26], $0x1  }
0xb5: {  	[sflag:s26] =	ssyncadd.s32 $0xFFFFFFFF  }
0xb6: {  	_ =	strace $0x90000048  }
0xb7: {  	_ =	sfence  }
0xb8: {  	s28 =	sld [smem:$0x0];
	_ =	sdelay $0x1  }
0xb9: {  	s29 =	srdreg.scid  }
0xba: {  	s30 =	sshll.u32 s29, $0xD;
	s31 =	sshrl.u32 s29, $0x2  }
0xbb: {  	s1 =	sand.u32 $0x1, s29;
	s2 =	sand.u32 $0x4000, s30;
	s0 =	sadd.s32 s31, s28  }
0xbc: {  	s1 =	sor.u32 s2, s1;
	s0 =	sshll.u32 s0, $0x11  }
0xbd: {  	s0 =	sor.u32 s0, s1  }
0xbe: {  	s0 =	sadd.s32 $0x8F2B, s0  }
0xbf: {  	[sflag:s0] =	ssyncadd.remote.s32 $0x1  }
0xc0: {  	_ =	sfence.sel $0xFFFF  }
0xc1: {  	[dreg:$0x0] =	wrdreg $0xFFFFFFFF;
	(pc) =	sbr.abs _section_cstart, $3  }
0xc2: {  	[dreg:$0x1] =	wrdreg $0xFFFFFFFF  }
0xc3: {  	_ =	task.clear_ibuf [dreg:s7], $0x2FFFF;
	_ =	strace $0x9FFFFFFF  }
0xc4: {  	(tm) =	ssettm $0x7FFFFFFF  }
0xc5: {  	_ =	shalt  }
tec
execute0_lowered:
.L_overlay_start_1:
0x0: {  	(tag) =	ssettag $0x1  }
0x1: {  	s4 =	rddreg [dreg:$0x0]  }
0x2: {  	s6 =	rddreg [dreg:$0x1]  }
0x3: {  	s5 =	rddreg [dreg:$0x2]  }
0x4: {  	s1 =	rddreg [dreg:$0x3];
	s2 =	simm.s32 $0x0  }
0x5: {  	s3 =	stileid.u32;
	[smem:$0x7FF] =	sst s2  }
0x6: {  	s0 =	rddreg [dreg:$0x4];
	p0 =	sne.s32 s3, $0x0;
	_ =	strace $0x80000047  }
0x7: {  	_ =	sfence.sel @p0 $0x180000  }
0x8: {  	[bflag:$0x0] =	sbarrier.arrive @p0 $0xFFFF  }
0x9: {  	_ =	strace @p0 $0x90000047  }
0xa: {  	[bflag:$0x2] =	sbarrier.arrive @p0 $0xFFFF  }
0xb: {  	_ =	shalt @p0  }
.LBB2_1:
0xc: {  	s3 =	sadd.s32 $0x600, s4;
	s24 =	simm.s32 $0x2  }
0xd: {  	[tilespmem:s2], [sflag:$0x2] =	stream.linear.gather [hbm4b:s3+s2], $0x80, $0x38;
	[tilespmem:$0x280] =	vst v63  }
0xe: {  	_ =	swait.ge [sflag:s24], $0x80  }
0xf: {  	[sflag:s24] =	ssyncset.done $0x0  }
0x10: {  	s7 =	simm.s32 $0x1;
	s8 =	simm.s32 $0x80;
	[sflag:s24] =	ssyncadd.s32 $0xFFFFFF80  }
0x11: {  	[tilespmem:s8], [sflag:$0x1] =	stream.indirect.gather [hbm4b:s6+s7], $0x80, s2, s7, $0xb8;
	[tilespmem:$0x280] =	vst v63  }
0x12: {  	s25 =	simm.s32 $0x8;
	s26 =	simm.s32 $0x100  }
0x13: {  	[tilespmem:s26], [sflag:$0x1] =	stream.indirect.gather [hbm4b:s5+s7], $0x80, s25, s7, $0xb8;
	[tilespmem:$0x280] =	vst v63  }
0x14: {  	v0 =	vld [tilespmem:$0x0];
	_ =	sdelay $0x4  }
0x15: {  	(v2sf) =	vpush v0, $0x0;
	_ =	sdelay $0xe  }
0x16: {  	s28 =	spop (v2sf)  }
0x17: {  	s5 =	sshll.u32 s28, $0x4  }
0x18: {  	s29 =	sadd.s32 $0x800, s4;
	s5 =	sand.u32 $0x1FFFFFF0, s5  }
0x19: {  	s30 =	simm.s32 $0x180;
	s4 =	sadd.s32 s29, s5  }
0x1a: {  	[tilespmem:s30], [sflag:$0x1] =	stream.linear.gather [hbm4b:s4+s2], $0x80, $0x38;
	[tilespmem:$0x280] =	vst v63  }
0x1b: {  	_ =	swait.ge [sflag:s7], $0x80  }
0x1c: {  	[sflag:s7] =	ssyncset.done $0x0  }
0x1d: {  	[sflag:s7] =	ssyncadd.s32 $0xFFFFFF80  }
0x1e: {  	_ =	swait.ge [sflag:s7], $0x80  }
0x1f: {  	[sflag:s7] =	ssyncset.done $0x0  }
0x20: {  	[sflag:s7] =	ssyncadd.s32 $0xFFFFFF80  }
0x21: {  	_ =	swait.ge [sflag:s7], $0x80  }
0x22: {  	[sflag:s7] =	ssyncset.done $0x0  }
0x23: {  	[sflag:s7] =	ssyncadd.s32 $0xFFFFFF80  }
0x24: {  	v19 =	vld [tilespmem:$0x80]  }
0x25: {  	v1 =	vld [tilespmem:$0x100]  }
0x26: {  	v2 =	vld [tilespmem:$0x90]  }
0x27: {  	v3 =	vld [tilespmem:$0x110]  }
0x28: {  	v4 =	vld [tilespmem:$0xA0]  }
0x29: {  	v5 =	vld [tilespmem:$0x120]  }
0x2a: {  	v6 =	vld [tilespmem:$0xB0]  }
0x2b: {  	v7 =	vld [tilespmem:$0x130]  }
0x2c: {  	v21 =	vld [tilespmem:$0xC0];
	v0 =	vmul.f32 v1, v19;
	v20 =	vmul.f32 v3, v2  }
0x2d: {  	v22 =	vld [tilespmem:$0x140]  }
0x2e: {  	v24 =	vld [tilespmem:$0xD0];
	v23 =	vmul.f32 v5, v4;
	v0 =	vadd.f32 v20, v0  }
0x2f: {  	v25 =	vld [tilespmem:$0x150]  }
0x30: {  	v27 =	vld [tilespmem:$0xE0];
	v26 =	vmul.f32 v7, v6;
	v0 =	vadd.f32 v23, v0  }
0x31: {  	v29 =	vld [tilespmem:$0x160]  }
0x32: {  	v30 =	vld [tilespmem:$0xF0];
	v28 =	vmul.f32 v22, v21;
	v0 =	vadd.f32 v26, v0  }
0x33: {  	v32 =	vld [tilespmem:$0x170]  }
0x34: {  	v33 =	vimm.s32 $0xFEDCBA98;
	v31 =	vmul.f32 v25, v24;
	v0 =	vadd.f32 v28, v0  }
0x35: {  	v34 =	vimm.s32 $0x76543210;
	v1 =	vunpack.c.l.s4.s8 v33  }
0x36: {  	v2 =	vmul.f32 v29, v27;
	v5 =	vunpack.c.l.s4.s8 v34;
	v0 =	vadd.f32 v31, v0  }
0x37: {  	v37 =	vimm.s32 $0xBA98FEDC;
	v38 =	vimm.s32 $0x32107654;
	v1 =	vunpack.c.0.s8.s32 v1  }
0x38: {  	v35 =	vmul.f32 v32, v30;
	v36 =	vunpack.c.0.s8.s32 v5;
	v0 =	vadd.f32 v2, v0  }
0x39: {  	v4 =	vunpack.c.l.s4.s8 v37;
	v5 =	vunpack.c.l.s4.s8 v38;
	v1 =	vand.u32 $0xF, v1  }
0x3a: {  	v1 =	vcombine.low v1, v36;
	v0 =	vadd.f32 v35, v0  }
0x3b: {  	v39 =	vunpack.c.0.s8.s32 v4;
	v40 =	vunpack.c.0.s8.s32 v5  }
0x3c: {  	v42 =	vimm.s32 $0xDCFE98BA;
	v43 =	vimm.s32 $0x54761032;
	v41 =	vperm.xlane v0, v1  }
0x3d: {  	v44 =	vunpack.c.l.s4.s8 v42;
	v45 =	vunpack.c.l.s4.s8 v43;
	v2 =	vcombine.low v40, v39  }
0x3e: {  	v0 =	vadd.f32 v0, v41  }
0x3f: {  	v46 =	vunpack.c.0.s8.s32 v45;
	v3 =	vunpack.c.0.s8.s32 v44;
	v2 =	vand.u32 $0xF, v2  }
0x40: {  	v48 =	vimm.s32 $0xEFCDAB89;
	v49 =	vimm.s32 $0x67452301;
	v47 =	vperm.xlane v0, v2  }
0x41: {  	v50 =	vunpack.c.l.s4.s8 v48;
	v51 =	vunpack.c.l.s4.s8 v49;
	v3 =	vcombine.low v46, v3  }
0x42: {  	v0 =	vadd.f32 v0, v47  }
0x43: {  	v52 =	vunpack.c.0.s8.s32 v51;
	v4 =	vunpack.c.0.s8.s32 v50;
	v3 =	vand.u32 $0xF, v3  }
0x44: {  	v53 =	vperm.xlane v0, v3  }
0x45: {  	v4 =	vcombine.low v52, v4  }
0x46: {  	v0 =	vadd.f32 v0, v53  }
0x47: {  	v4 =	vand.u32 $0xF, v4  }
0x48: {  	v54 =	vperm.xlane v0, v4;
	_ =	sdelay $0x1  }
0x49: {  	v0 =	vadd.f32 v0, v54;
	_ =	sdelay $0x1  }
0x4a: {  	v5 =	vand.u32 $0x7FFFFFFF, v0  }
0x4b: {  	v5 =	vsub.f32 $0.0e+00, v5;
	_ =	sdelay $0x1  }
0x4c: {  	v5 =	vmul.f32 $1.442695020e+00, v5;
	_ =	sdelay $0x1  }
0x4d: {  	(erf) = vpow2.f32 v5;
	_ =	sdelay $0x8  }
0x4e: {  	v5 =	vpop (erf)  }
0x4f: {  	v55 =	vadd.f32 $2.000000000e+00, v5;
	_ =	sdelay $0x1  }
0x50: {  	(erf) = vrcp.f32 v55;
	_ =	sdelay $0x8  }
0x51: {  	v6 =	vpop (erf)  }
0x52: {  	v5 =	vmul.f32 v6, v5;
	_ =	sdelay $0x1  }
0x53: {  	v6 =	vmul.f32 v5, v5;
	_ =	sdelay $0x1  }
0x54: {  	v56 =	vmul.f32 $1.111111120e-01, v6;
	_ =	sdelay $0x1  }
0x55: {  	v7 =	vadd.f32 $1.428571490e-01, v56;
	_ =	sdelay $0x1  }
0x56: {  	v7 =	vmul.f32 v7, v6;
	_ =	sdelay $0x1  }
0x57: {  	v7 =	vadd.f32 $2.000000030e-01, v7;
	_ =	sdelay $0x1  }
0x58: {  	v7 =	vmul.f32 v7, v6;
	_ =	sdelay $0x1  }
0x59: {  	v7 =	vadd.f32 $3.333333430e-01, v7;
	_ =	sdelay $0x1  }
0x5a: {  	v6 =	vmul.f32 v7, v6;
	_ =	sdelay $0x1  }
0x5b: {  	v5 =	vadd.f32 v5, v5;
	v6 =	vadd.f32 $1.000000000e+00, v6  }
0x5c: {  	v8 =	vld [tilespmem:$0x180];
	v57 =	vsub.f32 $0.0e+00, v0  }
0x5d: {  	v5 =	vmul.f32 v6, v5  }
0x5e: {  	v0 =	vmax.f32 v0, $0.0e+00;
	v58 =	vmax.f32 v57, $0.0e+00  }
0x5f: {  	v0 =	vadd.f32 v5, v0;
	v5 =	vadd.f32 v5, v58;
	_ =	sdelay $0x1  }
0x60: {  	v59 =	vcvt.s32.f32 v8;
	v0 =	vsub.f32 v0, v5;
	_ =	sdelay $0x1  }
0x61: {  	v6 =	vmul.f32 v59, v0;
	_ =	sdelay $0x1  }
0x62: {  	v6 =	vadd.f32 v6, v5;
	_ =	sdelay $0x1  }
0x63: {  	v1 =	vperm.xlane v6, v1;
	_ =	sdelay $0x1  }
0x64: {  	v1 =	vadd.f32 v6, v1  }
0x65: {  	v60 =	vld [tilespmem:$0x181]  }
0x66: {  	v2 =	vperm.xlane v1, v2;
	_ =	sdelay $0x1  }
0x67: {  	v1 =	vadd.f32 v1, v2;
	_ =	sdelay $0x1  }
0x68: {  	v61 =	vcvt.s32.f32 v60;
	v2 =	vperm.xlane v1, v3;
	_ =	sdelay $0x1  }
0x69: {  	v62 =	vbroadcast v61, $0xF;
	v1 =	vadd.f32 v1, v2;
	_ =	sdelay $0x1  }
0x6a: {  	v0 =	vmul.f32 v0, v62;
	v63 =	vperm.xlane v1, v4;
	_ =	sdelay $0x1  }
0x6b: {  	v0 =	vadd.f32 v0, v5;
	v1 =	vadd.f32 v1, v63;
	_ =	sdelay $0x1  }
0x6c: {  	v0 =	vadd.f32 v1, v0;
	_ =	sdelay $0x1  }
0x6d: {  	s31 =	simm.s32 $0x200;
	[tilespmem:$0x200] =	vst v0  }
0x6e: {  	[hbm4b:s1+s2] =	stream.linear.scatter [tilespmem:s31], [sflag:$0x2], $0x1, $0x38;
	[tilespmem:$0x280] =	vst v63  }
0x6f: {  	_ =	swait.ge [sflag:s24], $0x1  }
0x70: {  	[sflag:s24] =	ssyncset.done $0x0  }
0x71: {  	[sflag:s24] =	ssyncadd.s32 $0xFFFFFFFF  }
0x72: {  	_ =	sfence.sel $0x180000  }
0x73: {  	[bflag:$0x0] =	sbarrier.arrive $0xFFFF  }
0x74: {  	_ =	strace $0x90000047  }
0x75: {  	s0 =	sadd.s32 $0x100000, s0;
	[bflag:$0x2] =	sbarrier.arrive $0xFFFF  }
0x76: {  	[sflag:s0] =	ssyncadd.tile.s32 $0x1;
	_ =	shalt  }
.Lfunc_end2:
_tile_overlayer_lowered:
.L_overlay_start_2:
0x77: {  	(tag) =	ssettag $0x2  }
0x78: {  	s0 =	rddreg [dreg:$0x0];
	s2 =	stileid.u32  }
0x79: {  	s1 =	rddreg [dreg:$0x1];
	p0 =	sne.s32 s2, $0x0  }
0x7a: {  	s3 =	rddreg [dreg:$0x2];
	[bflag:$0x3] =	sbarrier.arrive $0xFFFF;
	s2 =	simm.s32 @!p0 $0x1C02  }
0x7b: {  	[timem:s3], [sflag:s2] =	dma.local @!p0 [hbm:s0], s1  }
0x7c: {  	s0 =	simm.s32 @!p0 $0x2  }
0x7d: {  	_ =	swait.ge @!p0 [sflag:s0], s1  }
0x7e: {  	s1 =	ssub.s32 @!p0 $0x0, s1;
	[sflag:s0] =	ssyncset.done @!p0 $0x0  }
0x7f: {  	[sflag:s0] =	ssyncadd.s32 @!p0 s1  }
0x80: {  	[bflag:$0x3] =	sbarrier.arrive $0xFFFF  }
0x81: {  	_ =	shalt  }

</sc_bundles>
